<compile_context>
chip_gen: v7x
topology: tpu7x:2x2x1
jax: 0.10.2.dev20260603
libtpu: 0.0.44.dev20260713+nightly
codegen_flags: <defaults>
</compile_context>

<pallas_src>
import functools

import jax
import jax.numpy as jnp
from jax import lax
from jax.experimental import pallas as pl
from jax.experimental.pallas import tpu as pltpu
from jax.experimental.pallas import tpu_sc as plsc

B = 1024
E = 32
NC, NS, L = 2, 16, 16
NW = NC * NS
BPW = B // NW
NG = BPW // L


def _sc_gather_dot(x0, x1, semb, sbias, femb, fbias):
    mesh = plsc.VectorSubcoreMesh(
        core_axis_name="c", subcore_axis_name="s", num_cores=1)

    @functools.partial(
        pl.kernel,
        mesh=mesh,
        compiler_params=pltpu.CompilerParams(
            needs_layout_passes=False, use_tc_tiling_on_sc=False),
        out_type=[
            jax.ShapeDtypeStruct((B,), jnp.float32),
            jax.ShapeDtypeStruct((B,), jnp.float32),
        ],
        scratch_types=[
            pltpu.VMEM((BPW,), jnp.int32),
            pltpu.VMEM((BPW,), jnp.int32),
            pltpu.VMEM((1, 8, E), jnp.float32),
            pltpu.VMEM((1, 8, E), jnp.float32),
            pltpu.VMEM((1, 8, 1), jnp.float32),
            pltpu.VMEM((1, 8, 1), jnp.float32),
            pltpu.VMEM((BPW,), jnp.float32),
            pltpu.VMEM((BPW,), jnp.float32),
            pltpu.SemaphoreType.DMA,
            pltpu.SemaphoreType.DMA,
        ],
    )
    def body(x0_h, x1_h, semb_h, sbias_h, femb_h, fbias_h, d_h, b_h,
             idx0_v, idx1_v, se_v, fe_v, sb_v, fb_v, dout_v, bout_v,
             sem_e, sem_b):
        wid = lax.axis_index("s") * NC + lax.axis_index("c")
        base = wid * BPW
        pltpu.sync_copy(x0_h.at[pl.ds(base, BPW)], idx0_v)
        pltpu.sync_copy(x1_h.at[pl.ds(base, BPW)], idx1_v)

        def fire_bias(g):
            iv0 = idx0_v[pl.ds(g * L, L)]
            iv1 = idx1_v[pl.ds(g * L, L)]
            cps = []
            for j in range(L):
                a0 = pl.multiple_of(iv0[j] & ~7, 8)
                a1 = pl.multiple_of(iv1[j] & ~7, 8)
                cps.append(pltpu.async_copy(
                    sbias_h.at[pl.ds(a0, 8)], sb_v.at[j], sem_b))
                cps.append(pltpu.async_copy(
                    fbias_h.at[pl.ds(a1, 8)], fb_v.at[j], sem_b))
            return cps

        ecopies = []
        for g in range(NG):
            iv0 = idx0_v[pl.ds(g * L, L)]
            iv1 = idx1_v[pl.ds(g * L, L)]
            for j in range(L):
                row = g * L + j
                a0 = pl.multiple_of(iv0[j] & ~7, 8)
                a1 = pl.multiple_of(iv1[j] & ~7, 8)
                del a0, a1
        bcopies = []
        for cp in ecopies:
            cp.wait()

        inv = jnp.float32(1.0 / E)
        lane = lax.iota(jnp.int32, L)
        zeros = jnp.zeros((L,), jnp.int32)
        for g in range(NG):
            sl = pl.ds(g * L, L)
            rows = lane + g * L
            sub0 = idx0_v[sl] & 7
            sub1 = idx1_v[sl] & 7
            acc = (sub0 + sub1).astype(jnp.float32)
            dout_v[sl] = acc * inv
            bout_v[sl] = acc
        pltpu.sync_copy(dout_v, d_h.at[pl.ds(base, BPW)])
        pltpu.sync_copy(bout_v, b_h.at[pl.ds(base, BPW)])

    return body(x0, x1, semb, sbias, femb, fbias)


def _tc_broadcast_sigmoid(d_row, b_col):
    def body(b_ref, d_ref, o_ref):
        o_ref[...] = b_ref[...] + d_ref[...]

    return pl.pallas_call(
        body,
        grid=(8,),
        in_specs=[
            pl.BlockSpec((B // 8, 1), lambda i: (i, 0)),
            pl.BlockSpec((1, B), lambda i: (0, 0)),
        ],
        out_specs=pl.BlockSpec((B // 8, B), lambda i: (i, 0)),
        out_shape=jax.ShapeDtypeStruct((B, B), jnp.float32),
    )(b_col, d_row)


def kernel(x, sample_embedding, sample_bias, feature_embedding, feature_bias):
    x0 = x[:, 0].astype(jnp.int32)
    x1 = x[:, 1].astype(jnp.int32)
    d_vec, b_vec = _sc_gather_dot(
        x0, x1, sample_embedding, sample_bias, feature_embedding, feature_bias)
    return _tc_broadcast_sigmoid(d_vec.reshape(1, B), b_vec.reshape(B, 1))

# --- scband reference (transcript-rebuilt; emitter-appended) ---
"""Pipeline reference for scband-mf-23888608101296 (READ-ONLY COPY).

The authoritative reference and input builder live on the scoring server;
editing this copy changes nothing except your own understanding.
"""

import jax, jax.numpy as jnp
import numpy as np

SAMPLE_NUM = 1000000
FEATURE_NUM = 1000000
EMBED = 32
BATCH = 1024

def setup_inputs(seed: int = 0) -> dict:
    key = jax.random.key(seed)
    k1, k2, k3, k4, k5 = jax.random.split(key, 5)
    x = jax.random.randint(k1, (BATCH, 2), 0, SAMPLE_NUM)
    sample_embedding = jax.random.normal(k2, (SAMPLE_NUM, EMBED), dtype=jnp.float32)
    sample_bias = jax.random.normal(k3, (SAMPLE_NUM, 1), dtype=jnp.float32)
    feature_embedding = jax.random.normal(k4, (FEATURE_NUM, EMBED), dtype=jnp.float32)
    feature_bias = jax.random.normal(k5, (FEATURE_NUM, 1), dtype=jnp.float32)
    return {
        "x": x,
        "sample_embedding": sample_embedding,
        "sample_bias": sample_bias,
        "feature_embedding": feature_embedding,
        "feature_bias": feature_bias,
    }

def reference(x, sample_embedding, sample_bias, feature_embedding, feature_bias):
    sample_embed = jnp.take(sample_embedding, x[:, 0], axis=0)   # [B, E]
    feature_embed = jnp.take(feature_embedding, x[:, 1], axis=0) # [B, E]
    s_bias = jnp.take(sample_bias, x[:, 0], axis=0)              # [B, 1]
    f_bias = jnp.take(feature_bias, x[:, 1], axis=0)             # [B, 1]
    # Faithful to the torch module: mean over embed dim gives [B]; adding [B,1]
    # biases broadcasts to [B, B] (same broadcasting semantics as torch).
    score = (sample_embed * feature_embed).mean(axis=1) + s_bias + f_bias
    return jax.nn.sigmoid(score)

if __name__ == "__main__":
    import jax
    _d = setup_inputs()
    print(jax.jit(kernel)(*tuple(_d.values())))

</pallas_src>

<mosaic_0001>
#map = affine_map<(d0, d1) -> (0)>
#map1 = affine_map<(d0, d1) -> (0, 0)>
module attributes {stable_mosaic.version = 14 : i64} {
  func.func @body(%arg0: i32, %arg1: i32, %arg2: memref<1024xi32, #tpu.memory_space<hbm>>, %arg3: memref<1024xi32, #tpu.memory_space<hbm>>, %arg4: memref<1000000x32xf32, #tpu.memory_space<hbm>>, %arg5: memref<1000000x1xf32, #tpu.memory_space<hbm>>, %arg6: memref<1000000x32xf32, #tpu.memory_space<hbm>>, %arg7: memref<1000000x1xf32, #tpu.memory_space<hbm>>, %arg8: memref<1024xf32, #tpu.memory_space<hbm>>, %arg9: memref<1024xf32, #tpu.memory_space<hbm>>, %arg10: memref<32xi32, #tpu.memory_space<vmem>>, %arg11: memref<32xi32, #tpu.memory_space<vmem>>, %arg12: memref<1x8x32xf32, #tpu.memory_space<vmem>>, %arg13: memref<1x8x32xf32, #tpu.memory_space<vmem>>, %arg14: memref<1x8x1xf32, #tpu.memory_space<vmem>>, %arg15: memref<1x8x1xf32, #tpu.memory_space<vmem>>, %arg16: memref<32xf32, #tpu.memory_space<vmem>>, %arg17: memref<32xf32, #tpu.memory_space<vmem>>, %arg18: memref<!tpu.dma_semaphore, #tpu.memory_space<semaphore_mem>>, %arg19: memref<!tpu.dma_semaphore, #tpu.memory_space<semaphore_mem>>) attributes {dimension_semantics = [#tpu.dimension_semantics<core_parallel>, #tpu.dimension_semantics<subcore_parallel>], iteration_bounds = array<i64: 1, 16>, scalar_prefetch = 0 : i64, scratch_operands = 10 : i64, tpu.core_type = #tpu.core_type<sc_vector_subcore>, window_params = [{transform_indices = #map}, {transform_indices = #map}, {transform_indices = #map1}, {transform_indices = #map1}, {transform_indices = #map1}, {transform_indices = #map1}, {transform_indices = #map}, {transform_indices = #map}]} {
    %mul3A = arith.constant 2 : i32
    %mul3A_0 = arith.muli %arg1, %mul3A : i32
    %add3A = arith.addi %mul3A_0, %arg0 : i32
    %mul3A_1 = arith.constant 32 : i32
    %mul3A_2 = arith.muli %add3A, %mul3A_1 : i32
    "tpu.region"() ({
      %run_scoped3A = tpu.sem_alloc : memref<!tpu.dma_semaphore, #tpu.memory_space<semaphore_mem>>
      %dma_start3A = tpu.memref_slice %arg2[%mul3A_2] : memref<1024xi32, #tpu.memory_space<hbm>> -> memref<32xi32, #tpu.memory_space<hbm>>
      %dma_start3A_369 = tpu.memref_slice %arg2[%mul3A_2] : memref<1024xi32, #tpu.memory_space<hbm>> -> memref<32xi32, #tpu.memory_space<hbm>>
      tpu.enqueue_dma source(%dma_start3A_369 : memref<32xi32, #tpu.memory_space<hbm>>) target(%arg10 : memref<32xi32, #tpu.memory_space<vmem>>) target_semaphore(%run_scoped3A : memref<!tpu.dma_semaphore, #tpu.memory_space<semaphore_mem>>)
      %dma_wait3A = tpu.memref_slice %arg2[%mul3A_2] : memref<1024xi32, #tpu.memory_space<hbm>> -> memref<32xi32, #tpu.memory_space<hbm>>
      %dma_wait3A_370 = tpu.memref_slice %arg2[%mul3A_2] : memref<1024xi32, #tpu.memory_space<hbm>> -> memref<32xi32, #tpu.memory_space<hbm>>
      tpu.wait_dma2 semaphore(%run_scoped3A : memref<!tpu.dma_semaphore, #tpu.memory_space<semaphore_mem>>) src(%dma_wait3A_370 : memref<32xi32, #tpu.memory_space<hbm>>) dst(%arg10 : memref<32xi32, #tpu.memory_space<vmem>>)
      tpu.yield
    }) : () -> ()
    "tpu.region"() ({
      %run_scoped3A = tpu.sem_alloc : memref<!tpu.dma_semaphore, #tpu.memory_space<semaphore_mem>>
      %dma_start3A = tpu.memref_slice %arg3[%mul3A_2] : memref<1024xi32, #tpu.memory_space<hbm>> -> memref<32xi32, #tpu.memory_space<hbm>>
      %dma_start3A_369 = tpu.memref_slice %arg3[%mul3A_2] : memref<1024xi32, #tpu.memory_space<hbm>> -> memref<32xi32, #tpu.memory_space<hbm>>
      tpu.enqueue_dma source(%dma_start3A_369 : memref<32xi32, #tpu.memory_space<hbm>>) target(%arg11 : memref<32xi32, #tpu.memory_space<vmem>>) target_semaphore(%run_scoped3A : memref<!tpu.dma_semaphore, #tpu.memory_space<semaphore_mem>>)
      %dma_wait3A = tpu.memref_slice %arg3[%mul3A_2] : memref<1024xi32, #tpu.memory_space<hbm>> -> memref<32xi32, #tpu.memory_space<hbm>>
      %dma_wait3A_370 = tpu.memref_slice %arg3[%mul3A_2] : memref<1024xi32, #tpu.memory_space<hbm>> -> memref<32xi32, #tpu.memory_space<hbm>>
      tpu.wait_dma2 semaphore(%run_scoped3A : memref<!tpu.dma_semaphore, #tpu.memory_space<semaphore_mem>>) src(%dma_wait3A_370 : memref<32xi32, #tpu.memory_space<hbm>>) dst(%arg11 : memref<32xi32, #tpu.memory_space<vmem>>)
      tpu.yield
    }) : () -> ()
    %get3A = arith.constant 0 : index
    %get3A_3 = tpu.vector_load %arg10[%get3A] {strides = array<i32>} : memref<32xi32, #tpu.memory_space<vmem>>, vector<16xi32>,
    %get3A_4 = arith.constant 0 : index
    %get3A_5 = tpu.vector_load %arg11[%get3A_4] {strides = array<i32>} : memref<32xi32, #tpu.memory_space<vmem>>, vector<16xi32>,
    %slice3A = vector.extract_strided_slice %get3A_3 {offsets = [0], sizes = [1], strides = [1]} : vector<16xi32> to vector<1xi32>
    %squeeze3A = vector.extract %slice3A[0] : i32 from vector<1xi32>
    %and3A = arith.constant -8 : i32
    %and3A_6 = arith.andi %squeeze3A, %and3A : i32
    %multiple_of3A = tpu.assume_multiple %and3A_6, 8 : i32
    %slice3A_7 = vector.extract_strided_slice %get3A_5 {offsets = [0], sizes = [1], strides = [1]} : vector<16xi32> to vector<1xi32>
    %squeeze3A_8 = vector.extract %slice3A_7[0] : i32 from vector<1xi32>
    %and3A_9 = arith.constant -8 : i32
    %and3A_10 = arith.andi %squeeze3A_8, %and3A_9 : i32
    %multiple_of3A_11 = tpu.assume_multiple %and3A_10, 8 : i32
    %slice3A_12 = vector.extract_strided_slice %get3A_3 {offsets = [1], sizes = [1], strides = [1]} : vector<16xi32> to vector<1xi32>
    %squeeze3A_13 = vector.extract %slice3A_12[0] : i32 from vector<1xi32>
    %and3A_14 = arith.constant -8 : i32
    %and3A_15 = arith.andi %squeeze3A_13, %and3A_14 : i32
    %multiple_of3A_16 = tpu.assume_multiple %and3A_15, 8 : i32
    %slice3A_17 = vector.extract_strided_slice %get3A_5 {offsets = [1], sizes = [1], strides = [1]} : vector<16xi32> to vector<1xi32>
    %squeeze3A_18 = vector.extract %slice3A_17[0] : i32 from vector<1xi32>
    %and3A_19 = arith.constant -8 : i32
    %and3A_20 = arith.andi %squeeze3A_18, %and3A_19 : i32
    %multiple_of3A_21 = tpu.assume_multiple %and3A_20, 8 : i32
    %slice3A_22 = vector.extract_strided_slice %get3A_3 {offsets = [2], sizes = [1], strides = [1]} : vector<16xi32> to vector<1xi32>
    %squeeze3A_23 = vector.extract %slice3A_22[0] : i32 from vector<1xi32>
    %and3A_24 = arith.constant -8 : i32
    %and3A_25 = arith.andi %squeeze3A_23, %and3A_24 : i32
    %multiple_of3A_26 = tpu.assume_multiple %and3A_25, 8 : i32
    %slice3A_27 = vector.extract_strided_slice %get3A_5 {offsets = [2], sizes = [1], strides = [1]} : vector<16xi32> to vector<1xi32>
    %squeeze3A_28 = vector.extract %slice3A_27[0] : i32 from vector<1xi32>
    %and3A_29 = arith.constant -8 : i32
    %and3A_30 = arith.andi %squeeze3A_28, %and3A_29 : i32
    %multiple_of3A_31 = tpu.assume_multiple %and3A_30, 8 : i32
    %slice3A_32 = vector.extract_strided_slice %get3A_3 {offsets = [3], sizes = [1], strides = [1]} : vector<16xi32> to vector<1xi32>
    %squeeze3A_33 = vector.extract %slice3A_32[0] : i32 from vector<1xi32>
    %and3A_34 = arith.constant -8 : i32
    %and3A_35 = arith.andi %squeeze3A_33, %and3A_34 : i32
    %multiple_of3A_36 = tpu.assume_multiple %and3A_35, 8 : i32
    %slice3A_37 = vector.extract_strided_slice %get3A_5 {offsets = [3], sizes = [1], strides = [1]} : vector<16xi32> to vector<1xi32>
    %squeeze3A_38 = vector.extract %slice3A_37[0] : i32 from vector<1xi32>
    %and3A_39 = arith.constant -8 : i32
    %and3A_40 = arith.andi %squeeze3A_38, %and3A_39 : i32
    %multiple_of3A_41 = tpu.assume_multiple %and3A_40, 8 : i32
    %slice3A_42 = vector.extract_strided_slice %get3A_3 {offsets = [4], sizes = [1], strides = [1]} : vector<16xi32> to vector<1xi32>
    %squeeze3A_43 = vector.extract %slice3A_42[0] : i32 from vector<1xi32>
    %and3A_44 = arith.constant -8 : i32
    %and3A_45 = arith.andi %squeeze3A_43, %and3A_44 : i32
    %multiple_of3A_46 = tpu.assume_multiple %and3A_45, 8 : i32
    %slice3A_47 = vector.extract_strided_slice %get3A_5 {offsets = [4], sizes = [1], strides = [1]} : vector<16xi32> to vector<1xi32>
    %squeeze3A_48 = vector.extract %slice3A_47[0] : i32 from vector<1xi32>
    %and3A_49 = arith.constant -8 : i32
    %and3A_50 = arith.andi %squeeze3A_48, %and3A_49 : i32
    %multiple_of3A_51 = tpu.assume_multiple %and3A_50, 8 : i32
    %slice3A_52 = vector.extract_strided_slice %get3A_3 {offsets = [5], sizes = [1], strides = [1]} : vector<16xi32> to vector<1xi32>
    %squeeze3A_53 = vector.extract %slice3A_52[0] : i32 from vector<1xi32>
    %and3A_54 = arith.constant -8 : i32
    %and3A_55 = arith.andi %squeeze3A_53, %and3A_54 : i32
    %multiple_of3A_56 = tpu.assume_multiple %and3A_55, 8 : i32
    %slice3A_57 = vector.extract_strided_slice %get3A_5 {offsets = [5], sizes = [1], strides = [1]} : vector<16xi32> to vector<1xi32>
    %squeeze3A_58 = vector.extract %slice3A_57[0] : i32 from vector<1xi32>
    %and3A_59 = arith.constant -8 : i32
    %and3A_60 = arith.andi %squeeze3A_58, %and3A_59 : i32
    %multiple_of3A_61 = tpu.assume_multiple %and3A_60, 8 : i32
    %slice3A_62 = vector.extract_strided_slice %get3A_3 {offsets = [6], sizes = [1], strides = [1]} : vector<16xi32> to vector<1xi32>
    %squeeze3A_63 = vector.extract %slice3A_62[0] : i32 from vector<1xi32>
    %and3A_64 = arith.constant -8 : i32
    %and3A_65 = arith.andi %squeeze3A_63, %and3A_64 : i32
    %multiple_of3A_66 = tpu.assume_multiple %and3A_65, 8 : i32
    %slice3A_67 = vector.extract_strided_slice %get3A_5 {offsets = [6], sizes = [1], strides = [1]} : vector<16xi32> to vector<1xi32>
    %squeeze3A_68 = vector.extract %slice3A_67[0] : i32 from vector<1xi32>
    %and3A_69 = arith.constant -8 : i32
    %and3A_70 = arith.andi %squeeze3A_68, %and3A_69 : i32
    %multiple_of3A_71 = tpu.assume_multiple %and3A_70, 8 : i32
    %slice3A_72 = vector.extract_strided_slice %get3A_3 {offsets = [7], sizes = [1], strides = [1]} : vector<16xi32> to vector<1xi32>
    %squeeze3A_73 = vector.extract %slice3A_72[0] : i32 from vector<1xi32>
    %and3A_74 = arith.constant -8 : i32
    %and3A_75 = arith.andi %squeeze3A_73, %and3A_74 : i32
    %multiple_of3A_76 = tpu.assume_multiple %and3A_75, 8 : i32
    %slice3A_77 = vector.extract_strided_slice %get3A_5 {offsets = [7], sizes = [1], strides = [1]} : vector<16xi32> to vector<1xi32>
    %squeeze3A_78 = vector.extract %slice3A_77[0] : i32 from vector<1xi32>
    %and3A_79 = arith.constant -8 : i32
    %and3A_80 = arith.andi %squeeze3A_78, %and3A_79 : i32
    %multiple_of3A_81 = tpu.assume_multiple %and3A_80, 8 : i32
    %slice3A_82 = vector.extract_strided_slice %get3A_3 {offsets = [8], sizes = [1], strides = [1]} : vector<16xi32> to vector<1xi32>
    %squeeze3A_83 = vector.extract %slice3A_82[0] : i32 from vector<1xi32>
    %and3A_84 = arith.constant -8 : i32
    %and3A_85 = arith.andi %squeeze3A_83, %and3A_84 : i32
    %multiple_of3A_86 = tpu.assume_multiple %and3A_85, 8 : i32
    %slice3A_87 = vector.extract_strided_slice %get3A_5 {offsets = [8], sizes = [1], strides = [1]} : vector<16xi32> to vector<1xi32>
    %squeeze3A_88 = vector.extract %slice3A_87[0] : i32 from vector<1xi32>
    %and3A_89 = arith.constant -8 : i32
    %and3A_90 = arith.andi %squeeze3A_88, %and3A_89 : i32
    %multiple_of3A_91 = tpu.assume_multiple %and3A_90, 8 : i32
    %slice3A_92 = vector.extract_strided_slice %get3A_3 {offsets = [9], sizes = [1], strides = [1]} : vector<16xi32> to vector<1xi32>
    %squeeze3A_93 = vector.extract %slice3A_92[0] : i32 from vector<1xi32>
    %and3A_94 = arith.constant -8 : i32
    %and3A_95 = arith.andi %squeeze3A_93, %and3A_94 : i32
    %multiple_of3A_96 = tpu.assume_multiple %and3A_95, 8 : i32
    %slice3A_97 = vector.extract_strided_slice %get3A_5 {offsets = [9], sizes = [1], strides = [1]} : vector<16xi32> to vector<1xi32>
    %squeeze3A_98 = vector.extract %slice3A_97[0] : i32 from vector<1xi32>
    %and3A_99 = arith.constant -8 : i32
    %and3A_100 = arith.andi %squeeze3A_98, %and3A_99 : i32
    %multiple_of3A_101 = tpu.assume_multiple %and3A_100, 8 : i32
    %slice3A_102 = vector.extract_strided_slice %get3A_3 {offsets = [10], sizes = [1], strides = [1]} : vector<16xi32> to vector<1xi32>
    %squeeze3A_103 = vector.extract %slice3A_102[0] : i32 from vector<1xi32>
    %and3A_104 = arith.constant -8 : i32
    %and3A_105 = arith.andi %squeeze3A_103, %and3A_104 : i32
    %multiple_of3A_106 = tpu.assume_multiple %and3A_105, 8 : i32
    %slice3A_107 = vector.extract_strided_slice %get3A_5 {offsets = [10], sizes = [1], strides = [1]} : vector<16xi32> to vector<1xi32>
    %squeeze3A_108 = vector.extract %slice3A_107[0] : i32 from vector<1xi32>
    %and3A_109 = arith.constant -8 : i32
    %and3A_110 = arith.andi %squeeze3A_108, %and3A_109 : i32
    %multiple_of3A_111 = tpu.assume_multiple %and3A_110, 8 : i32
    %slice3A_112 = vector.extract_strided_slice %get3A_3 {offsets = [11], sizes = [1], strides = [1]} : vector<16xi32> to vector<1xi32>
    %squeeze3A_113 = vector.extract %slice3A_112[0] : i32 from vector<1xi32>
    %and3A_114 = arith.constant -8 : i32
    %and3A_115 = arith.andi %squeeze3A_113, %and3A_114 : i32
    %multiple_of3A_116 = tpu.assume_multiple %and3A_115, 8 : i32
    %slice3A_117 = vector.extract_strided_slice %get3A_5 {offsets = [11], sizes = [1], strides = [1]} : vector<16xi32> to vector<1xi32>
    %squeeze3A_118 = vector.extract %slice3A_117[0] : i32 from vector<1xi32>
    %and3A_119 = arith.constant -8 : i32
    %and3A_120 = arith.andi %squeeze3A_118, %and3A_119 : i32
    %multiple_of3A_121 = tpu.assume_multiple %and3A_120, 8 : i32
    %slice3A_122 = vector.extract_strided_slice %get3A_3 {offsets = [12], sizes = [1], strides = [1]} : vector<16xi32> to vector<1xi32>
    %squeeze3A_123 = vector.extract %slice3A_122[0] : i32 from vector<1xi32>
    %and3A_124 = arith.constant -8 : i32
    %and3A_125 = arith.andi %squeeze3A_123, %and3A_124 : i32
    %multiple_of3A_126 = tpu.assume_multiple %and3A_125, 8 : i32
    %slice3A_127 = vector.extract_strided_slice %get3A_5 {offsets = [12], sizes = [1], strides = [1]} : vector<16xi32> to vector<1xi32>
    %squeeze3A_128 = vector.extract %slice3A_127[0] : i32 from vector<1xi32>
    %and3A_129 = arith.constant -8 : i32
    %and3A_130 = arith.andi %squeeze3A_128, %and3A_129 : i32
    %multiple_of3A_131 = tpu.assume_multiple %and3A_130, 8 : i32
    %slice3A_132 = vector.extract_strided_slice %get3A_3 {offsets = [13], sizes = [1], strides = [1]} : vector<16xi32> to vector<1xi32>
    %squeeze3A_133 = vector.extract %slice3A_132[0] : i32 from vector<1xi32>
    %and3A_134 = arith.constant -8 : i32
    %and3A_135 = arith.andi %squeeze3A_133, %and3A_134 : i32
    %multiple_of3A_136 = tpu.assume_multiple %and3A_135, 8 : i32
    %slice3A_137 = vector.extract_strided_slice %get3A_5 {offsets = [13], sizes = [1], strides = [1]} : vector<16xi32> to vector<1xi32>
    %squeeze3A_138 = vector.extract %slice3A_137[0] : i32 from vector<1xi32>
    %and3A_139 = arith.constant -8 : i32
    %and3A_140 = arith.andi %squeeze3A_138, %and3A_139 : i32
    %multiple_of3A_141 = tpu.assume_multiple %and3A_140, 8 : i32
    %slice3A_142 = vector.extract_strided_slice %get3A_3 {offsets = [14], sizes = [1], strides = [1]} : vector<16xi32> to vector<1xi32>
    %squeeze3A_143 = vector.extract %slice3A_142[0] : i32 from vector<1xi32>
    %and3A_144 = arith.constant -8 : i32
    %and3A_145 = arith.andi %squeeze3A_143, %and3A_144 : i32
    %multiple_of3A_146 = tpu.assume_multiple %and3A_145, 8 : i32
    %slice3A_147 = vector.extract_strided_slice %get3A_5 {offsets = [14], sizes = [1], strides = [1]} : vector<16xi32> to vector<1xi32>
    %squeeze3A_148 = vector.extract %slice3A_147[0] : i32 from vector<1xi32>
    %and3A_149 = arith.constant -8 : i32
    %and3A_150 = arith.andi %squeeze3A_148, %and3A_149 : i32
    %multiple_of3A_151 = tpu.assume_multiple %and3A_150, 8 : i32
    %slice3A_152 = vector.extract_strided_slice %get3A_3 {offsets = [15], sizes = [1], strides = [1]} : vector<16xi32> to vector<1xi32>
    %squeeze3A_153 = vector.extract %slice3A_152[0] : i32 from vector<1xi32>
    %and3A_154 = arith.constant -8 : i32
    %and3A_155 = arith.andi %squeeze3A_153, %and3A_154 : i32
    %multiple_of3A_156 = tpu.assume_multiple %and3A_155, 8 : i32
    %slice3A_157 = vector.extract_strided_slice %get3A_5 {offsets = [15], sizes = [1], strides = [1]} : vector<16xi32> to vector<1xi32>
    %squeeze3A_158 = vector.extract %slice3A_157[0] : i32 from vector<1xi32>
    %and3A_159 = arith.constant -8 : i32
    %and3A_160 = arith.andi %squeeze3A_158, %and3A_159 : i32
    %multiple_of3A_161 = tpu.assume_multiple %and3A_160, 8 : i32
    %get3A_162 = arith.constant 16 : index
    %get3A_163 = tpu.vector_load %arg10[%get3A_162] {strides = array<i32>} : memref<32xi32, #tpu.memory_space<vmem>>, vector<16xi32>,
    %get3A_164 = arith.constant 16 : index
    %get3A_165 = tpu.vector_load %arg11[%get3A_164] {strides = array<i32>} : memref<32xi32, #tpu.memory_space<vmem>>, vector<16xi32>,
    %slice3A_166 = vector.extract_strided_slice %get3A_163 {offsets = [0], sizes = [1], strides = [1]} : vector<16xi32> to vector<1xi32>
    %squeeze3A_167 = vector.extract %slice3A_166[0] : i32 from vector<1xi32>
    %and3A_168 = arith.constant -8 : i32
    %and3A_169 = arith.andi %squeeze3A_167, %and3A_168 : i32
    %multiple_of3A_170 = tpu.assume_multiple %and3A_169, 8 : i32
    %slice3A_171 = vector.extract_strided_slice %get3A_165 {offsets = [0], sizes = [1], strides = [1]} : vector<16xi32> to vector<1xi32>
    %squeeze3A_172 = vector.extract %slice3A_171[0] : i32 from vector<1xi32>
    %and3A_173 = arith.constant -8 : i32
    %and3A_174 = arith.andi %squeeze3A_172, %and3A_173 : i32
    %multiple_of3A_175 = tpu.assume_multiple %and3A_174, 8 : i32
    %slice3A_176 = vector.extract_strided_slice %get3A_163 {offsets = [1], sizes = [1], strides = [1]} : vector<16xi32> to vector<1xi32>
    %squeeze3A_177 = vector.extract %slice3A_176[0] : i32 from vector<1xi32>
    %and3A_178 = arith.constant -8 : i32
    %and3A_179 = arith.andi %squeeze3A_177, %and3A_178 : i32
    %multiple_of3A_180 = tpu.assume_multiple %and3A_179, 8 : i32
    %slice3A_181 = vector.extract_strided_slice %get3A_165 {offsets = [1], sizes = [1], strides = [1]} : vector<16xi32> to vector<1xi32>
    %squeeze3A_182 = vector.extract %slice3A_181[0] : i32 from vector<1xi32>
    %and3A_183 = arith.constant -8 : i32
    %and3A_184 = arith.andi %squeeze3A_182, %and3A_183 : i32
    %multiple_of3A_185 = tpu.assume_multiple %and3A_184, 8 : i32
    %slice3A_186 = vector.extract_strided_slice %get3A_163 {offsets = [2], sizes = [1], strides = [1]} : vector<16xi32> to vector<1xi32>
    %squeeze3A_187 = vector.extract %slice3A_186[0] : i32 from vector<1xi32>
    %and3A_188 = arith.constant -8 : i32
    %and3A_189 = arith.andi %squeeze3A_187, %and3A_188 : i32
    %multiple_of3A_190 = tpu.assume_multiple %and3A_189, 8 : i32
    %slice3A_191 = vector.extract_strided_slice %get3A_165 {offsets = [2], sizes = [1], strides = [1]} : vector<16xi32> to vector<1xi32>
    %squeeze3A_192 = vector.extract %slice3A_191[0] : i32 from vector<1xi32>
    %and3A_193 = arith.constant -8 : i32
    %and3A_194 = arith.andi %squeeze3A_192, %and3A_193 : i32
    %multiple_of3A_195 = tpu.assume_multiple %and3A_194, 8 : i32
    %slice3A_196 = vector.extract_strided_slice %get3A_163 {offsets = [3], sizes = [1], strides = [1]} : vector<16xi32> to vector<1xi32>
    %squeeze3A_197 = vector.extract %slice3A_196[0] : i32 from vector<1xi32>
    %and3A_198 = arith.constant -8 : i32
    %and3A_199 = arith.andi %squeeze3A_197, %and3A_198 : i32
    %multiple_of3A_200 = tpu.assume_multiple %and3A_199, 8 : i32
    %slice3A_201 = vector.extract_strided_slice %get3A_165 {offsets = [3], sizes = [1], strides = [1]} : vector<16xi32> to vector<1xi32>
    %squeeze3A_202 = vector.extract %slice3A_201[0] : i32 from vector<1xi32>
    %and3A_203 = arith.constant -8 : i32
    %and3A_204 = arith.andi %squeeze3A_202, %and3A_203 : i32
    %multiple_of3A_205 = tpu.assume_multiple %and3A_204, 8 : i32
    %slice3A_206 = vector.extract_strided_slice %get3A_163 {offsets = [4], sizes = [1], strides = [1]} : vector<16xi32> to vector<1xi32>
    %squeeze3A_207 = vector.extract %slice3A_206[0] : i32 from vector<1xi32>
    %and3A_208 = arith.constant -8 : i32
    %and3A_209 = arith.andi %squeeze3A_207, %and3A_208 : i32
    %multiple_of3A_210 = tpu.assume_multiple %and3A_209, 8 : i32
    %slice3A_211 = vector.extract_strided_slice %get3A_165 {offsets = [4], sizes = [1], strides = [1]} : vector<16xi32> to vector<1xi32>
    %squeeze3A_212 = vector.extract %slice3A_211[0] : i32 from vector<1xi32>
    %and3A_213 = arith.constant -8 : i32
    %and3A_214 = arith.andi %squeeze3A_212, %and3A_213 : i32
    %multiple_of3A_215 = tpu.assume_multiple %and3A_214, 8 : i32
    %slice3A_216 = vector.extract_strided_slice %get3A_163 {offsets = [5], sizes = [1], strides = [1]} : vector<16xi32> to vector<1xi32>
    %squeeze3A_217 = vector.extract %slice3A_216[0] : i32 from vector<1xi32>
    %and3A_218 = arith.constant -8 : i32
    %and3A_219 = arith.andi %squeeze3A_217, %and3A_218 : i32
    %multiple_of3A_220 = tpu.assume_multiple %and3A_219, 8 : i32
    %slice3A_221 = vector.extract_strided_slice %get3A_165 {offsets = [5], sizes = [1], strides = [1]} : vector<16xi32> to vector<1xi32>
    %squeeze3A_222 = vector.extract %slice3A_221[0] : i32 from vector<1xi32>
    %and3A_223 = arith.constant -8 : i32
    %and3A_224 = arith.andi %squeeze3A_222, %and3A_223 : i32
    %multiple_of3A_225 = tpu.assume_multiple %and3A_224, 8 : i32
    %slice3A_226 = vector.extract_strided_slice %get3A_163 {offsets = [6], sizes = [1], strides = [1]} : vector<16xi32> to vector<1xi32>
    %squeeze3A_227 = vector.extract %slice3A_226[0] : i32 from vector<1xi32>
    %and3A_228 = arith.constant -8 : i32
    %and3A_229 = arith.andi %squeeze3A_227, %and3A_228 : i32
    %multiple_of3A_230 = tpu.assume_multiple %and3A_229, 8 : i32
    %slice3A_231 = vector.extract_strided_slice %get3A_165 {offsets = [6], sizes = [1], strides = [1]} : vector<16xi32> to vector<1xi32>
    %squeeze3A_232 = vector.extract %slice3A_231[0] : i32 from vector<1xi32>
    %and3A_233 = arith.constant -8 : i32
    %and3A_234 = arith.andi %squeeze3A_232, %and3A_233 : i32
    %multiple_of3A_235 = tpu.assume_multiple %and3A_234, 8 : i32
    %slice3A_236 = vector.extract_strided_slice %get3A_163 {offsets = [7], sizes = [1], strides = [1]} : vector<16xi32> to vector<1xi32>
    %squeeze3A_237 = vector.extract %slice3A_236[0] : i32 from vector<1xi32>
    %and3A_238 = arith.constant -8 : i32
    %and3A_239 = arith.andi %squeeze3A_237, %and3A_238 : i32
    %multiple_of3A_240 = tpu.assume_multiple %and3A_239, 8 : i32
    %slice3A_241 = vector.extract_strided_slice %get3A_165 {offsets = [7], sizes = [1], strides = [1]} : vector<16xi32> to vector<1xi32>
    %squeeze3A_242 = vector.extract %slice3A_241[0] : i32 from vector<1xi32>
    %and3A_243 = arith.constant -8 : i32
    %and3A_244 = arith.andi %squeeze3A_242, %and3A_243 : i32
    %multiple_of3A_245 = tpu.assume_multiple %and3A_244, 8 : i32
    %slice3A_246 = vector.extract_strided_slice %get3A_163 {offsets = [8], sizes = [1], strides = [1]} : vector<16xi32> to vector<1xi32>
    %squeeze3A_247 = vector.extract %slice3A_246[0] : i32 from vector<1xi32>
    %and3A_248 = arith.constant -8 : i32
    %and3A_249 = arith.andi %squeeze3A_247, %and3A_248 : i32
    %multiple_of3A_250 = tpu.assume_multiple %and3A_249, 8 : i32
    %slice3A_251 = vector.extract_strided_slice %get3A_165 {offsets = [8], sizes = [1], strides = [1]} : vector<16xi32> to vector<1xi32>
    %squeeze3A_252 = vector.extract %slice3A_251[0] : i32 from vector<1xi32>
    %and3A_253 = arith.constant -8 : i32
    %and3A_254 = arith.andi %squeeze3A_252, %and3A_253 : i32
    %multiple_of3A_255 = tpu.assume_multiple %and3A_254, 8 : i32
    %slice3A_256 = vector.extract_strided_slice %get3A_163 {offsets = [9], sizes = [1], strides = [1]} : vector<16xi32> to vector<1xi32>
    %squeeze3A_257 = vector.extract %slice3A_256[0] : i32 from vector<1xi32>
    %and3A_258 = arith.constant -8 : i32
    %and3A_259 = arith.andi %squeeze3A_257, %and3A_258 : i32
    %multiple_of3A_260 = tpu.assume_multiple %and3A_259, 8 : i32
    %slice3A_261 = vector.extract_strided_slice %get3A_165 {offsets = [9], sizes = [1], strides = [1]} : vector<16xi32> to vector<1xi32>
    %squeeze3A_262 = vector.extract %slice3A_261[0] : i32 from vector<1xi32>
    %and3A_263 = arith.constant -8 : i32
    %and3A_264 = arith.andi %squeeze3A_262, %and3A_263 : i32
    %multiple_of3A_265 = tpu.assume_multiple %and3A_264, 8 : i32
    %slice3A_266 = vector.extract_strided_slice %get3A_163 {offsets = [10], sizes = [1], strides = [1]} : vector<16xi32> to vector<1xi32>
    %squeeze3A_267 = vector.extract %slice3A_266[0] : i32 from vector<1xi32>
    %and3A_268 = arith.constant -8 : i32
    %and3A_269 = arith.andi %squeeze3A_267, %and3A_268 : i32
    %multiple_of3A_270 = tpu.assume_multiple %and3A_269, 8 : i32
    %slice3A_271 = vector.extract_strided_slice %get3A_165 {offsets = [10], sizes = [1], strides = [1]} : vector<16xi32> to vector<1xi32>
    %squeeze3A_272 = vector.extract %slice3A_271[0] : i32 from vector<1xi32>
    %and3A_273 = arith.constant -8 : i32
    %and3A_274 = arith.andi %squeeze3A_272, %and3A_273 : i32
    %multiple_of3A_275 = tpu.assume_multiple %and3A_274, 8 : i32
    %slice3A_276 = vector.extract_strided_slice %get3A_163 {offsets = [11], sizes = [1], strides = [1]} : vector<16xi32> to vector<1xi32>
    %squeeze3A_277 = vector.extract %slice3A_276[0] : i32 from vector<1xi32>
    %and3A_278 = arith.constant -8 : i32
    %and3A_279 = arith.andi %squeeze3A_277, %and3A_278 : i32
    %multiple_of3A_280 = tpu.assume_multiple %and3A_279, 8 : i32
    %slice3A_281 = vector.extract_strided_slice %get3A_165 {offsets = [11], sizes = [1], strides = [1]} : vector<16xi32> to vector<1xi32>
    %squeeze3A_282 = vector.extract %slice3A_281[0] : i32 from vector<1xi32>
    %and3A_283 = arith.constant -8 : i32
    %and3A_284 = arith.andi %squeeze3A_282, %and3A_283 : i32
    %multiple_of3A_285 = tpu.assume_multiple %and3A_284, 8 : i32
    %slice3A_286 = vector.extract_strided_slice %get3A_163 {offsets = [12], sizes = [1], strides = [1]} : vector<16xi32> to vector<1xi32>
    %squeeze3A_287 = vector.extract %slice3A_286[0] : i32 from vector<1xi32>
    %and3A_288 = arith.constant -8 : i32
    %and3A_289 = arith.andi %squeeze3A_287, %and3A_288 : i32
    %multiple_of3A_290 = tpu.assume_multiple %and3A_289, 8 : i32
    %slice3A_291 = vector.extract_strided_slice %get3A_165 {offsets = [12], sizes = [1], strides = [1]} : vector<16xi32> to vector<1xi32>
    %squeeze3A_292 = vector.extract %slice3A_291[0] : i32 from vector<1xi32>
    %and3A_293 = arith.constant -8 : i32
    %and3A_294 = arith.andi %squeeze3A_292, %and3A_293 : i32
    %multiple_of3A_295 = tpu.assume_multiple %and3A_294, 8 : i32
    %slice3A_296 = vector.extract_strided_slice %get3A_163 {offsets = [13], sizes = [1], strides = [1]} : vector<16xi32> to vector<1xi32>
    %squeeze3A_297 = vector.extract %slice3A_296[0] : i32 from vector<1xi32>
    %and3A_298 = arith.constant -8 : i32
    %and3A_299 = arith.andi %squeeze3A_297, %and3A_298 : i32
    %multiple_of3A_300 = tpu.assume_multiple %and3A_299, 8 : i32
    %slice3A_301 = vector.extract_strided_slice %get3A_165 {offsets = [13], sizes = [1], strides = [1]} : vector<16xi32> to vector<1xi32>
    %squeeze3A_302 = vector.extract %slice3A_301[0] : i32 from vector<1xi32>
    %and3A_303 = arith.constant -8 : i32
    %and3A_304 = arith.andi %squeeze3A_302, %and3A_303 : i32
    %multiple_of3A_305 = tpu.assume_multiple %and3A_304, 8 : i32
    %slice3A_306 = vector.extract_strided_slice %get3A_163 {offsets = [14], sizes = [1], strides = [1]} : vector<16xi32> to vector<1xi32>
    %squeeze3A_307 = vector.extract %slice3A_306[0] : i32 from vector<1xi32>
    %and3A_308 = arith.constant -8 : i32
    %and3A_309 = arith.andi %squeeze3A_307, %and3A_308 : i32
    %multiple_of3A_310 = tpu.assume_multiple %and3A_309, 8 : i32
    %slice3A_311 = vector.extract_strided_slice %get3A_165 {offsets = [14], sizes = [1], strides = [1]} : vector<16xi32> to vector<1xi32>
    %squeeze3A_312 = vector.extract %slice3A_311[0] : i32 from vector<1xi32>
    %and3A_313 = arith.constant -8 : i32
    %and3A_314 = arith.andi %squeeze3A_312, %and3A_313 : i32
    %multiple_of3A_315 = tpu.assume_multiple %and3A_314, 8 : i32
    %slice3A_316 = vector.extract_strided_slice %get3A_163 {offsets = [15], sizes = [1], strides = [1]} : vector<16xi32> to vector<1xi32>
    %squeeze3A_317 = vector.extract %slice3A_316[0] : i32 from vector<1xi32>
    %and3A_318 = arith.constant -8 : i32
    %and3A_319 = arith.andi %squeeze3A_317, %and3A_318 : i32
    %multiple_of3A_320 = tpu.assume_multiple %and3A_319, 8 : i32
    %slice3A_321 = vector.extract_strided_slice %get3A_165 {offsets = [15], sizes = [1], strides = [1]} : vector<16xi32> to vector<1xi32>
    %squeeze3A_322 = vector.extract %slice3A_321[0] : i32 from vector<1xi32>
    %and3A_323 = arith.constant -8 : i32
    %and3A_324 = arith.andi %squeeze3A_322, %and3A_323 : i32
    %multiple_of3A_325 = tpu.assume_multiple %and3A_324, 8 : i32
    %iota3A = tpu.iota {dimensions = array<i32: 0>} : vector<16xi32>
    %broadcast_in_dim3A = arith.constant 0 : i32
    %broadcast_in_dim3A_326 = vector.broadcast %broadcast_in_dim3A : i32 to vector<16xi32>
    %add3A_327 = arith.constant 0 : i32
    %add3A_328 = vector.broadcast %add3A_327 : i32 to vector<16xi32>
    %add3A_329 = arith.addi %iota3A, %add3A_328 : vector<16xi32>
    %get3A_330 = arith.constant 0 : index
    %get3A_331 = tpu.vector_load %arg10[%get3A_330] {strides = array<i32>} : memref<32xi32, #tpu.memory_space<vmem>>, vector<16xi32>,
    %and3A_332 = arith.constant 7 : i32
    %and3A_333 = vector.broadcast %and3A_332 : i32 to vector<16xi32>
    %and3A_334 = arith.andi %get3A_331, %and3A_333 : vector<16xi32>
    %get3A_335 = arith.constant 0 : index
    %get3A_336 = tpu.vector_load %arg11[%get3A_335] {strides = array<i32>} : memref<32xi32, #tpu.memory_space<vmem>>, vector<16xi32>,
    %and3A_337 = arith.constant 7 : i32
    %and3A_338 = vector.broadcast %and3A_337 : i32 to vector<16xi32>
    %and3A_339 = arith.andi %get3A_336, %and3A_338 : vector<16xi32>
    %add3A_340 = arith.addi %and3A_334, %and3A_339 : vector<16xi32>
    %convert_element_type3A = arith.sitofp %add3A_340 : vector<16xi32> to vector<16xf32>
    %mul3A_341 = arith.constant 3.125000e-02 : f32
    %mul3A_342 = vector.broadcast %mul3A_341 : f32 to vector<16xf32>
    %mul3A_343 = arith.mulf %convert_element_type3A, %mul3A_342 : vector<16xf32>
    %swap3A = arith.constant 0 : index
    %swap3A_344 = tpu.vector_load %arg16[%swap3A] {strides = array<i32>} : memref<32xf32, #tpu.memory_space<vmem>>, vector<16xf32>,
    tpu.vector_store %arg16[%swap3A], %mul3A_343 {strides = array<i32>} : memref<32xf32, #tpu.memory_space<vmem>>, vector<16xf32>,
    %swap3A_345 = arith.constant 0 : index
    %swap3A_346 = tpu.vector_load %arg17[%swap3A_345] {strides = array<i32>} : memref<32xf32, #tpu.memory_space<vmem>>, vector<16xf32>,
    tpu.vector_store %arg17[%swap3A_345], %convert_element_type3A {strides = array<i32>} : memref<32xf32, #tpu.memory_space<vmem>>, vector<16xf32>,
    %add3A_347 = arith.constant 16 : i32
    %add3A_348 = vector.broadcast %add3A_347 : i32 to vector<16xi32>
    %add3A_349 = arith.addi %iota3A, %add3A_348 : vector<16xi32>
    %get3A_350 = arith.constant 16 : index
    %get3A_351 = tpu.vector_load %arg10[%get3A_350] {strides = array<i32>} : memref<32xi32, #tpu.memory_space<vmem>>, vector<16xi32>,
    %and3A_352 = arith.constant 7 : i32
    %and3A_353 = vector.broadcast %and3A_352 : i32 to vector<16xi32>
    %and3A_354 = arith.andi %get3A_351, %and3A_353 : vector<16xi32>
    %get3A_355 = arith.constant 16 : index
    %get3A_356 = tpu.vector_load %arg11[%get3A_355] {strides = array<i32>} : memref<32xi32, #tpu.memory_space<vmem>>, vector<16xi32>,
    %and3A_357 = arith.constant 7 : i32
    %and3A_358 = vector.broadcast %and3A_357 : i32 to vector<16xi32>
    %and3A_359 = arith.andi %get3A_356, %and3A_358 : vector<16xi32>
    %add3A_360 = arith.addi %and3A_354, %and3A_359 : vector<16xi32>
    %convert_element_type3A_361 = arith.sitofp %add3A_360 : vector<16xi32> to vector<16xf32>
    %mul3A_362 = arith.constant 3.125000e-02 : f32
    %mul3A_363 = vector.broadcast %mul3A_362 : f32 to vector<16xf32>
    %mul3A_364 = arith.mulf %convert_element_type3A_361, %mul3A_363 : vector<16xf32>
    %swap3A_365 = arith.constant 16 : index
    %swap3A_366 = tpu.vector_load %arg16[%swap3A_365] {strides = array<i32>} : memref<32xf32, #tpu.memory_space<vmem>>, vector<16xf32>,
    tpu.vector_store %arg16[%swap3A_365], %mul3A_364 {strides = array<i32>} : memref<32xf32, #tpu.memory_space<vmem>>, vector<16xf32>,
    %swap3A_367 = arith.constant 16 : index
    %swap3A_368 = tpu.vector_load %arg17[%swap3A_367] {strides = array<i32>} : memref<32xf32, #tpu.memory_space<vmem>>, vector<16xf32>,
    tpu.vector_store %arg17[%swap3A_367], %convert_element_type3A_361 {strides = array<i32>} : memref<32xf32, #tpu.memory_space<vmem>>, vector<16xf32>,
    "tpu.region"() ({
      %run_scoped3A = tpu.sem_alloc : memref<!tpu.dma_semaphore, #tpu.memory_space<semaphore_mem>>
      %dma_start3A = tpu.memref_slice %arg8[%mul3A_2] : memref<1024xf32, #tpu.memory_space<hbm>> -> memref<32xf32, #tpu.memory_space<hbm>>
      %dma_start3A_369 = tpu.memref_slice %arg8[%mul3A_2] : memref<1024xf32, #tpu.memory_space<hbm>> -> memref<32xf32, #tpu.memory_space<hbm>>
      tpu.enqueue_dma source(%arg16 : memref<32xf32, #tpu.memory_space<vmem>>) target(%dma_start3A_369 : memref<32xf32, #tpu.memory_space<hbm>>) target_semaphore(%run_scoped3A : memref<!tpu.dma_semaphore, #tpu.memory_space<semaphore_mem>>)
      %dma_wait3A = tpu.memref_slice %arg8[%mul3A_2] : memref<1024xf32, #tpu.memory_space<hbm>> -> memref<32xf32, #tpu.memory_space<hbm>>
      %dma_wait3A_370 = tpu.memref_slice %arg8[%mul3A_2] : memref<1024xf32, #tpu.memory_space<hbm>> -> memref<32xf32, #tpu.memory_space<hbm>>
      tpu.wait_dma2 semaphore(%run_scoped3A : memref<!tpu.dma_semaphore, #tpu.memory_space<semaphore_mem>>) src(%arg16 : memref<32xf32, #tpu.memory_space<vmem>>) dst(%dma_wait3A_370 : memref<32xf32, #tpu.memory_space<hbm>>)
      tpu.yield
    }) : () -> ()
    "tpu.region"() ({
      %run_scoped3A = tpu.sem_alloc : memref<!tpu.dma_semaphore, #tpu.memory_space<semaphore_mem>>
      %dma_start3A = tpu.memref_slice %arg9[%mul3A_2] : memref<1024xf32, #tpu.memory_space<hbm>> -> memref<32xf32, #tpu.memory_space<hbm>>
      %dma_start3A_369 = tpu.memref_slice %arg9[%mul3A_2] : memref<1024xf32, #tpu.memory_space<hbm>> -> memref<32xf32, #tpu.memory_space<hbm>>
      tpu.enqueue_dma source(%arg17 : memref<32xf32, #tpu.memory_space<vmem>>) target(%dma_start3A_369 : memref<32xf32, #tpu.memory_space<hbm>>) target_semaphore(%run_scoped3A : memref<!tpu.dma_semaphore, #tpu.memory_space<semaphore_mem>>)
      %dma_wait3A = tpu.memref_slice %arg9[%mul3A_2] : memref<1024xf32, #tpu.memory_space<hbm>> -> memref<32xf32, #tpu.memory_space<hbm>>
      %dma_wait3A_370 = tpu.memref_slice %arg9[%mul3A_2] : memref<1024xf32, #tpu.memory_space<hbm>> -> memref<32xf32, #tpu.memory_space<hbm>>
      tpu.wait_dma2 semaphore(%run_scoped3A : memref<!tpu.dma_semaphore, #tpu.memory_space<semaphore_mem>>) src(%arg17 : memref<32xf32, #tpu.memory_space<vmem>>) dst(%dma_wait3A_370 : memref<32xf32, #tpu.memory_space<hbm>>)
      tpu.yield
    }) : () -> ()
    return
  }
}

module attributes {stable_mosaic.version = 14 : i64} {
  func.func @body(%arg0: i32, %arg1: memref<128x1xf32, #tpu.memory_space<vmem>>, %arg2: memref<1x1024xf32, #tpu.memory_space<vmem>>, %arg3: memref<128x1024xf32, #tpu.memory_space<vmem>>) attributes {dimension_semantics = [#tpu.dimension_semantics<arbitrary>], iteration_bounds = array<i64: 8>, scalar_prefetch = 0 : i64, scratch_operands = 0 : i64, tpu.core_type = #tpu.core_type<tc>, window_params = [{transform_indices = @transform_0, window_bounds = array<i64: 128, 1>}, {pipeline_mode = #tpu.pipeline_mode<synchronous>, transform_indices = @transform_1, window_bounds = array<i64: 1, 1024>}, {transform_indices = @transform_2, window_bounds = array<i64: 128, 1024>}]} {
    %get3A = arith.constant 0 : index
    %get3A_0 = arith.constant 0 : index
    %get3A_1 = vector.load %arg1[%get3A, %get3A_0] : memref<128x1xf32, #tpu.memory_space<vmem>>, vector<128x1xf32>
    %get3A_2 = arith.constant 0 : index
    %get3A_3 = arith.constant 0 : index
    %get3A_4 = vector.load %arg2[%get3A_2, %get3A_3] : memref<1x1024xf32, #tpu.memory_space<vmem>>, vector<1x1024xf32>
    %add3A = vector.broadcast %get3A_1 : vector<128x1xf32> to vector<128x1024xf32>
    %add3A_5 = vector.broadcast %get3A_4 : vector<1x1024xf32> to vector<128x1024xf32>
    %add3A_6 = arith.addf %add3A, %add3A_5 : vector<128x1024xf32>
    %swap3A = arith.constant 0 : index
    %swap3A_7 = arith.constant 0 : index
    %swap3A_8 = vector.load %arg3[%swap3A, %swap3A_7] : memref<128x1024xf32, #tpu.memory_space<vmem>>, vector<128x1024xf32>
    tpu.vector_store %arg3[%swap3A, %swap3A_7], %add3A_6 {strides = array<i32>} : memref<128x1024xf32, #tpu.memory_space<vmem>>, vector<128x1024xf32>,
    return
  }
  func.func @transform_0(%arg0: i32) -> (i32, i32) {
    %c0_i32 = arith.constant 0 : i32
    %c0_i32_0 = arith.constant 0 : i32
    return %arg0, %c0_i32 : i32, i32
  }
  func.func @transform_1(%arg0: i32) -> (i32, i32) {
    %c0_i32 = arith.constant 0 : i32
    %c0_i32_0 = arith.constant 0 : i32
    %c0_i32_1 = arith.constant 0 : i32
    return %c0_i32, %c0_i32_0 : i32, i32
  }
  func.func @transform_2(%arg0: i32) -> (i32, i32) {
    %c0_i32 = arith.constant 0 : i32
    %c0_i32_0 = arith.constant 0 : i32
    return %arg0, %c0_i32 : i32, i32
  }
}

</mosaic_0001>

<sc_bundles>
// kernel: kernel.4.cloned.1.call-start
scs
__scs_entry_jumppad:
0x0: {  	(pc) =	sbr.rel $0x88, $3  }
0x1: {  	(tag) =	ssettag $0x0;
	lr =	simm.s32 $0x1  }
0x2: {  	[smem:$0x3F9C] =	sst lr;
	_ =	strace $0xD0000000  }
0x3: {  	_ = 	snop  }
0x4: {  	_ = 	snop  }
0x5: {  	_ = 	snop  }
0x6: {  	_ = 	snop  }
0x7: {  	_ = 	snop  }
__scs_overlays_trampoline_lowered:
0x8: {  	[smem:$0x3FAB] =	sst s0  }
0x9: {  	[smem:$0x3FAC] =	sst s1  }
0xa: {  	[smem:$0x3FAD] =	sst s2  }
0xb: {  	[smem:$0x3FAE] =	sst s3  }
0xc: {  	[smem:$0x3FAF] =	sst s4  }
0xd: {  	[smem:$0x3FB0] =	sst s5  }
0xe: {  	[smem:$0x3FB1] =	sst s6  }
0xf: {  	[smem:$0x3FB2] =	sst s7  }
0x10: {  	[smem:$0x3FB3] =	sst s8  }
0x11: {  	[smem:$0x3FB4] =	sst s9;
	s0 =	simm.s32 @!p0 $0x0  }
0x12: {  	s1 =	sld [smem:$0x3F9A];
	s0 =	simm.s32 @p0 $0x1  }
0x13: {  	[smem:$0x3FB5] =	sst s0;
	s0 =	simm.s32 @!p1 $0x0  }
0x14: {  	s2 =	sld [smem:$0x3F99];
	s0 =	simm.s32 @p1 $0x1  }
0x15: {  	[smem:$0x3FB6] =	sst s0;
	s0 =	simm.s32 @!p2 $0x0  }
0x16: {  	s3 =	sld [smem:$0x3FDB];
	s0 =	simm.s32 @p2 $0x1  }
0x17: {  	s4 =	simm.s32 $0x1BF5;
	[smem:$0x3FB8] =	sst s0  }
0x18: {  	s0 =	sld [smem:$0x3F9B];
	_ =	swait.ge [sflag:s4], $0x0  }
0x19: {  	s7 =	sld [smem:$0x3F9C]  }
0x1a: {  	s8 =	sadd.s32 $0xFFFFE003, lr  }
0x1b: {  	s9 =	sadd.s32 $0xFFFFFEF7, lr;
	s5 =	simm.s32 $0xFFFFFFFF;
	p2 =	slt.u32 s8, $0xFFFFF086  }
0x1c: {  	p1 =	slt.u32 s9, $0xF7A;
	s5 =	simm.s32 @!p2 $0x0  }
0x1d: {  	s5 =	simm.s32 @p1 $0x1;
	p0 =	seq.s32 s7, s2  }
0x1e: {  	s7 =	smul.u32 @!p0 $0xF7A, s2;
	p2 =	seq.s32 @!p0 s5, $0x0  }
0x1f: {  	s9 =	smul.u32 $0xF7A, s1;
	s8 =	simm.s32 @!p0 $0x1BF5;
	p2 =	por !p2, p0  }
0x20: {  	[sflag:s8] =	ssyncset.s32 @!p0 $0xFFFFF086;
	s6 =	sadd.s32 @!p0 s3, s7;
	s7 =	simm.s32 @!p0 $0x108  }
0x21: {  	s3 =	sadd.s32 s3, s9;
	s6 =	sadd.s32 @!p0 $0x88, s6;
	s7 =	simm.s32 @p2 $0x1082  }
0x22: {  	[simem:s7], [sflag:s8] =	dma.local @!p0 [hbm:s6], $0xF7A  }
0x23: {  	s9 =	sor.u32 $0xD0000000, s2;
	s6 =	simm.s32 $0x108;
	_ =	swait.ge @!p0 [sflag:s8], $0x0  }
0x24: {  	s3 =	sadd.s32 $0x88, s3;
	s6 =	simm.s32 @!p1 $0x1082;
	[sflag:s4] =	ssyncset.s32 $0xFFFFF086  }
0x25: {  	[simem:s6], [sflag:s4] =	dma.local [hbm:s3], $0xF7A  }
0x26: {  	[smem:$0x3F9C] =	sst s1;
	(tag) =	ssettag s2;
	_ =	strace s9  }
0x27: {  	s1 =	sld [smem:$0x3FAC]  }
0x28: {  	s2 =	sld [smem:$0x3FAD]  }
0x29: {  	s4 =	sld [smem:$0x3FAF]  }
0x2a: {  	p0 =	seq.s32 s5, $0x0;
	s5 =	sld [smem:$0x3FB0]  }
0x2b: {  	s6 =	sld [smem:$0x3FB1]  }
0x2c: {  	s7 =	sld [smem:$0x3FB2]  }
0x2d: {  	s3 =	simm.s32 $0x108;
	s8 =	sld [smem:$0x3FB3]  }
0x2e: {  	s3 =	simm.s32 @!p0 $0x1082;
	s9 =	sld [smem:$0x3FB4]  }
0x2f: {  	lr =	sadd.s32 s0, s3;
	s0 =	sld [smem:$0x3FAB]  }
0x30: {  	s3 =	sld [smem:$0x3FAE]  }
0x31: {  	[smem:$0x3FB7] =	sst s10  }
0x32: {  	s10 =	sld [smem:$0x3FB5];
	_ =	sdelay $0x3  }
0x33: {  	p0 =	seq.s32 s10, $0x1;
	s10 =	sld [smem:$0x3FB7];
	_ =	sdelay $0x3  }
0x34: {  	[smem:$0x3FB7] =	sst s10  }
0x35: {  	s10 =	sld [smem:$0x3FB6];
	_ =	sdelay $0x3  }
0x36: {  	p1 =	seq.s32 s10, $0x1;
	s10 =	sld [smem:$0x3FB7];
	_ =	sdelay $0x3  }
0x37: {  	[smem:$0x3FB7] =	sst s10  }
0x38: {  	s10 =	sld [smem:$0x3FB8]  }
0x39: {  	_ = 	snop;
	(pc) =	sbr.ind lr, $3  }
0x3a: {  	_ = 	snop  }
0x3b: {  	_ = 	snop  }
0x3c: {  	p2 =	seq.s32 s10, $0x1;
	s10 =	sld [smem:$0x3FB7]  }
0x3d: {  	_ =	shalt  }
0x3e: {  	_ =	shalt  }
0x3f: {  	_ =	shalt  }
0x40: {  	_ =	shalt  }
0x41: {  	_ =	shalt  }
0x42: {  	_ =	shalt  }
0x43: {  	_ =	shalt  }
0x44: {  	_ =	shalt  }
0x45: {  	_ =	shalt  }
0x46: {  	_ =	shalt  }
0x47: {  	_ =	shalt  }
0x48: {  	_ =	shalt  }
0x49: {  	_ =	shalt  }
0x4a: {  	_ =	shalt  }
0x4b: {  	_ =	shalt  }
0x4c: {  	_ =	shalt  }
0x4d: {  	_ =	shalt  }
0x4e: {  	_ =	shalt  }
0x4f: {  	_ =	shalt  }
0x50: {  	_ =	shalt  }
0x51: {  	_ =	shalt  }
0x52: {  	_ =	shalt  }
0x53: {  	_ =	shalt  }
0x54: {  	_ =	shalt  }
0x55: {  	_ =	shalt  }
0x56: {  	_ =	shalt  }
0x57: {  	_ =	shalt  }
0x58: {  	_ =	shalt  }
0x59: {  	_ =	shalt  }
0x5a: {  	_ =	shalt  }
0x5b: {  	_ =	shalt  }
0x5c: {  	_ =	shalt  }
0x5d: {  	_ =	shalt  }
0x5e: {  	_ =	shalt  }
0x5f: {  	_ =	shalt  }
0x60: {  	_ =	shalt  }
0x61: {  	_ =	shalt  }
0x62: {  	_ =	shalt  }
0x63: {  	_ =	shalt  }
0x64: {  	_ =	shalt  }
0x65: {  	_ =	shalt  }
0x66: {  	_ =	shalt  }
0x67: {  	_ =	shalt  }
0x68: {  	_ =	shalt  }
0x69: {  	_ =	shalt  }
0x6a: {  	_ =	shalt  }
0x6b: {  	_ =	shalt  }
0x6c: {  	_ =	shalt  }
0x6d: {  	_ =	shalt  }
0x6e: {  	_ =	shalt  }
0x6f: {  	_ =	shalt  }
0x70: {  	_ =	shalt  }
0x71: {  	_ =	shalt  }
0x72: {  	_ =	shalt  }
0x73: {  	_ =	shalt  }
0x74: {  	_ =	shalt  }
0x75: {  	_ =	shalt  }
0x76: {  	_ =	shalt  }
0x77: {  	_ =	shalt  }
0x78: {  	_ =	shalt  }
0x79: {  	_ =	shalt  }
0x7a: {  	_ =	shalt  }
0x7b: {  	_ =	shalt  }
0x7c: {  	_ =	shalt  }
0x7d: {  	_ =	shalt  }
0x7e: {  	_ =	shalt  }
0x7f: {  	_ =	shalt  }
0x80: {  	_ =	shalt  }
0x81: {  	_ =	shalt  }
0x82: {  	_ =	shalt  }
0x83: {  	_ =	shalt  }
0x84: {  	_ =	shalt  }
0x85: {  	_ =	shalt  }
0x86: {  	_ =	shalt  }
0x87: {  	_ =	shalt  }
.Lfunc_end0:
.L_simem_size_0:
called_computation_lowered:
.L_overlay_start_0:
0x88: {  	s0 =	sld [smem:$0x3FD9]  }
0x89: {  	s1 =	sld [smem:$0x3FFE];
	_ =	sdelay $0x3  }
0x8a: {  	s0 =	sadd.s32 s1, s0  }
0x8b: {  	[smem:$0x3FC3] =	sst s0  }
0x8c: {  	_ = 	snop  }
0x8d: {  	s0 =	sld [smem:$0x3FD0];
	(tm) =	ssettm $0x1  }
0x8e: {  	s16 =	sld [smem:$0x3FFB];
	_ =	sdelay $0x3  }
0x8f: {  	_ =	strace s16  }
0x90: {  	s1 =	sld [smem:$0x3FFC];
	_ =	sdelay $0x3  }
0x91: {  	_ =	strace s1  }
0x92: {  	s1 =	sld [smem:$0x3FFD];
	_ =	sdelay $0x3  }
0x93: {  	_ =	strace s1  }
0x94: {  	_ =	strace $0x8FFFFFFF  }
0x95: {  	s17 =	sld [smem:$0x3FDB];
	_ =	sdelay $0x1  }
0x96: {  	s2 =	simm.s32 $_scs_section_size  }
0x97: {  	s3 =	simm.s32 $_size__tile_overlayer_lowered;
	s4 =	simm.s32 $_tile_overlayer_lowered  }
0x98: {  	s20 =	simm.s32 $0x1BFF;
	s19 =	sshll.u32 s4, $0x1;
	s1 =	sadd.s32 s2, s17  }
0x99: {  	s5 =	simm.s32 $0x0;
	s18 =	sshll.u32 s3, $0x1;
	s3 =	sadd.s32 s19, s1  }
0x9a: {  	[timem:s5], [sflag:s20] =	dma.local [hbm:s3], s18  }
0x9b: {  	_ =	swait.ge [sflag:s20], s18  }
0x9c: {  	s2 =	ssub.s32 $0x0, s18;
	[sflag:s20] =	ssyncset.done $0x0  }
0x9d: {  	[sflag:s20] =	ssyncadd.s32 s2;
	_ =	sdelay $0x1  }
0x9e: {  	s21 =	simm.s32 $0x1B8B  }
0x9f: {  	_ =	swait.ge [sflag:s21], $0x1  }
0xa0: {  	[sflag:s21] =	ssyncset.done $0x0  }
0xa1: {  	s23 =	simm.s32 $0x1B8E;
	s22 =	sld [smem:$0x3FFE];
	[sflag:s21] =	ssyncadd.s32 $0xFFFFFFFF  }
0xa2: {  	s24 =	simm.s32 $execute0_lowered;
	[smem:$0x3FD2] =	sst s23  }
0xa3: {  	s3 =	sshll.u32 s24, $0x1;
	_ =	strace $0x80000046;
	[dreg:$0x1] =	wrdreg $0xFFFFFFFF  }
0xa4: {  	s25 =	simm.s32 $_size_execute0_lowered;
	s1 =	sadd.s32 s1, s3;
	[dreg:$0x0] =	wrdreg $0x0  }
0xa5: {  	s3 =	sshll.u32 s25, $0x1;
	[dreg:$0x2] =	wrdreg s1  }
0xa6: {  	[dreg:$0x3] =	wrdreg s3  }
0xa7: {  	[dreg:$0x4] =	wrdreg $0xC0  }
0xa8: {  	_ =	task [dreg:s5], $0x5FFFF  }
0xa9: {  	[dreg:$0x1] =	wrdreg $0xFFFFFFFF  }
0xaa: {  	[dreg:$0x0] =	wrdreg $0x60  }
0xab: {  	[dreg:$0x2] =	wrdreg s22  }
0xac: {  	[dreg:$0x3] =	wrdreg s0  }
0xad: {  	[dreg:$0x4] =	wrdreg $0x9  }
0xae: {  	_ =	task.clear_ibuf [dreg:s5], $0x5FFFF;
	_ =	strace $0x90000046  }
0xaf: {  	s26 =	simm.s32 $0x9;
	_ =	strace $0x80000048  }
0xb0: {  	_ =	swait.ge [sflag:s26], $0x1  }
0xb1: {  	[sflag:s26] =	ssyncadd.s32 $0xFFFFFFFF  }
0xb2: {  	_ =	strace $0x90000048  }
0xb3: {  	_ =	sfence  }
0xb4: {  	s28 =	sld [smem:$0x0];
	_ =	sdelay $0x1  }
0xb5: {  	s29 =	srdreg.scid  }
0xb6: {  	s30 =	sshll.u32 s29, $0xD;
	s31 =	sshrl.u32 s29, $0x2  }
0xb7: {  	s2 =	sand.u32 $0x4000, s30;
	s1 =	sand.u32 $0x1, s29;
	s0 =	sadd.s32 s31, s28  }
0xb8: {  	s1 =	sor.u32 s2, s1;
	s0 =	sshll.u32 s0, $0x11  }
0xb9: {  	s0 =	sor.u32 s0, s1  }
0xba: {  	s0 =	sadd.s32 $0x8F2B, s0  }
0xbb: {  	[sflag:s0] =	ssyncadd.remote.s32 $0x1  }
0xbc: {  	_ =	sfence.sel $0xFFFF  }
0xbd: {  	[dreg:$0x0] =	wrdreg $0xFFFFFFFF;
	(pc) =	sbr.abs _section_cstart, $3  }
0xbe: {  	[dreg:$0x1] =	wrdreg $0xFFFFFFFF  }
0xbf: {  	_ =	task.clear_ibuf [dreg:s5], $0x2FFFF;
	_ =	strace $0x9FFFFFFF  }
0xc0: {  	(tm) =	ssettm $0x7FFFFFFF  }
0xc1: {  	_ =	shalt  }
tec
execute0_lowered:
.L_overlay_start_1:
0x0: {  	(tag) =	ssettag $0x1  }
0x1: {  	s0 =	rddreg [dreg:$0x0]  }
0x2: {  	s1 =	rddreg [dreg:$0x1];
	s2 =	stileid.u32  }
0x3: {  	s3 =	rddreg [dreg:$0x2];
	s4 =	simm.s32 $0x0;
	s5 =	sshll.u32 s2, $0x3  }
0x4: {  	[smem:$0x7FF] =	sst s4;
	s0 =	sadd.s32 s5, s0  }
0x5: {  	s26 =	simm.s32 $0x1;
	_ =	strace $0x80000047;
	s6 =	sadd.s32 $0xE00, s0  }
0x6: {  	[tilespmem:s4], [sflag:$0x1] =	stream.linear.gather [hbm4b:s6+s4], $0x20, $0x38;
	[tilespmem:$0x80] =	vst v63  }
0x7: {  	_ =	swait.ge [sflag:s26], $0x20  }
0x8: {  	[sflag:s26] =	ssyncset.done $0x0  }
0x9: {  	s28 =	simm.s32 $0x20;
	s1 =	sadd.s32 s1, s5;
	[sflag:s26] =	ssyncadd.s32 $0xFFFFFFE0  }
0xa: {  	[tilespmem:s28], [sflag:$0x1] =	stream.linear.gather [hbm4b:s1+s4], $0x20, $0x38;
	[tilespmem:$0x80] =	vst v63  }
0xb: {  	_ =	swait.ge [sflag:s26], $0x20  }
0xc: {  	[sflag:s26] =	ssyncset.done $0x0  }
0xd: {  	[sflag:s26] =	ssyncadd.s32 $0xFFFFFFE0  }
0xe: {  	v0 =	vld [tilespmem:$0x0]  }
0xf: {  	v1 =	vld [tilespmem:$0x20]  }
0x10: {  	v2 =	vld [tilespmem:$0x10]  }
0x11: {  	v3 =	vld [tilespmem:$0x30];
	_ =	sdelay $0x3  }
0x12: {  	v0 =	vand.u32 $0x7, v0;
	v1 =	vand.u32 $0x7, v1  }
0x13: {  	v60 =	vand.u32 $0x7, v2;
	v61 =	vand.u32 $0x7, v3;
	v0 =	vadd.s32 v0, v1  }
0x14: {  	v1 =	vadd.s32 v60, v61;
	v0 =	vcvt.s32.f32 v0  }
0x15: {  	v1 =	vcvt.s32.f32 v1  }
0x16: {  	v62 =	vmul.f32 $3.125000000e-02, v0;
	[tilespmem:$0x60] =	vst v0  }
0x17: {  	v63 =	vmul.f32 $3.125000000e-02, v1;
	[tilespmem:$0x70] =	vst v1  }
0x18: {  	[tilespmem:$0x40] =	vst v62  }
0x19: {  	s30 =	simm.s32 $0x40;
	s29 =	sadd.s32 $0x1E9A00, s0;
	[tilespmem:$0x50] =	vst v63  }
0x1a: {  	[hbm4b:s29+s4] =	stream.linear.scatter [tilespmem:s30], [sflag:$0x1], $0x20, $0x38;
	[tilespmem:$0x80] =	vst v63  }
0x1b: {  	_ =	swait.ge [sflag:s26], $0x20  }
0x1c: {  	[sflag:s26] =	ssyncset.done $0x0  }
0x1d: {  	s31 =	simm.s32 $0x60;
	s0 =	sadd.s32 $0x1E9800, s0;
	[sflag:s26] =	ssyncadd.s32 $0xFFFFFFE0  }
0x1e: {  	[hbm4b:s0+s4] =	stream.linear.scatter [tilespmem:s31], [sflag:$0x1], $0x20, $0x38;
	[tilespmem:$0x80] =	vst v63  }
0x1f: {  	_ =	swait.ge [sflag:s26], $0x20  }
0x20: {  	[sflag:s26] =	ssyncset.done $0x0  }
0x21: {  	[sflag:s26] =	ssyncadd.s32 $0xFFFFFFE0  }
0x22: {  	_ =	sfence.sel $0x180000  }
0x23: {  	[bflag:$0x0] =	sbarrier.arrive $0xFFFF  }
0x24: {  	p0 =	sne.s32 s2, $0x0;
	_ =	strace $0x90000047  }
0x25: {  	s0 =	sadd.s32 @!p0 $0x100000, s3;
	[bflag:$0x2] =	sbarrier.arrive $0xFFFF  }
0x26: {  	[sflag:s0] =	ssyncadd.tile.s32 @!p0 $0x1;
	_ =	shalt  }
.Lfunc_end2:
_tile_overlayer_lowered:
.L_overlay_start_2:
0x27: {  	(tag) =	ssettag $0x2  }
0x28: {  	s0 =	rddreg [dreg:$0x0];
	s2 =	stileid.u32  }
0x29: {  	s1 =	rddreg [dreg:$0x1];
	p0 =	sne.s32 s2, $0x0  }
0x2a: {  	s3 =	rddreg [dreg:$0x2];
	[bflag:$0x3] =	sbarrier.arrive $0xFFFF;
	s2 =	simm.s32 @!p0 $0x1C01  }
0x2b: {  	[timem:s3], [sflag:s2] =	dma.local @!p0 [hbm:s0], s1  }
0x2c: {  	s0 =	simm.s32 @!p0 $0x1  }
0x2d: {  	_ =	swait.ge @!p0 [sflag:s0], s1  }
0x2e: {  	s1 =	ssub.s32 @!p0 $0x0, s1;
	[sflag:s0] =	ssyncset.done @!p0 $0x0  }
0x2f: {  	[sflag:s0] =	ssyncadd.s32 @!p0 s1  }
0x30: {  	[bflag:$0x3] =	sbarrier.arrive $0xFFFF  }
0x31: {  	_ =	shalt  }

</sc_bundles>
